<compile_context>
chip_gen: v7x
topology: tpu7x:2x2x1
jax: 0.10.2.dev20260603
libtpu: 0.0.44.dev20260713+nightly
codegen_flags: <defaults>
</compile_context>

<pallas_src>
import functools

import jax
import jax.numpy as jnp
from jax import lax
from jax.experimental import pallas as pl
from jax.experimental.pallas import tpu as pltpu
from jax.experimental.pallas import tpu_sc as plsc


_INFO = plsc.get_sparse_core_info()
_NC = _INFO.num_cores
_NS = _INFO.num_subcores
_NW = _NC * _NS
_CH = 128


@functools.partial(jax.jit, static_argnums=(2, 3))
def _sc_gather(idx_flat, table, nch, hidden):
    n_rows = _NW * nch * _CH
    mesh = plsc.VectorSubcoreMesh(core_axis_name="c", subcore_axis_name="s")

    nbuf = 3
    vocab = table.shape[0]

    @functools.partial(
        pl.kernel,
        out_type=jax.ShapeDtypeStruct((n_rows // _CH, _CH, hidden), jnp.float32),
        mesh=mesh,
        scratch_types=[
            pltpu.VMEM((nch * _CH,), jnp.int32),
            [pltpu.VMEM((1, _CH, hidden), jnp.float32)] * nbuf,
            pltpu.VMEM_SHARED((vocab, hidden), jnp.float32),
            [pltpu.SemaphoreType.DMA] * nbuf,
            [pltpu.SemaphoreType.DMA] * nbuf,
        ],
    )
    def body(idx_hbm, table_hbm, out_hbm, idx_v, bufs, tab_sh, gsems, ssems):
        wid = lax.axis_index("s") * _NC + lax.axis_index("c")
        base = wid * nch
        sid = lax.axis_index("s")

        @pl.when(sid == 0)
        def _stage_table():
            pltpu.sync_copy(table_hbm, tab_sh)

        pltpu.sync_copy(idx_hbm.at[pl.ds(wid * nch * _CH, nch * _CH)], idx_v)
        plsc.subcore_barrier()

        def gather(c, b):
            return pltpu.async_copy(
                tab_sh.at[idx_v.at[pl.ds(c * _CH, _CH)]], bufs[b].at[0], gsems[b]
            )

        gathers = [None] * nbuf
        stores = [None] * nbuf
        for c in range(min(nbuf, nch)):
            gathers[c] = gather(c, c)
        for c in range(nch):
            b = c % nbuf
            gathers[b].wait()
            stores[b] = pltpu.async_copy(
                bufs[b], out_hbm.at[pl.ds(base + c, 1)], ssems[b]
            )
            nxt = c + nbuf
            if nxt < nch:
                stores[b].wait()
                gathers[b] = gather(nxt, b)
                stores[b] = None
        for s in stores:
            if s is not None:
                s.wait()

    return body(idx_flat, table)


def kernel(input_ids, attention_mask, embed_weight):
    del attention_mask
    batch, seq = input_ids.shape
    vocab, hidden = embed_weight.shape
    n_rows = batch * seq
    nch = n_rows // (_NW * _CH)
    ids = input_ids.reshape(-1).astype(jnp.int32)
    table = embed_weight.astype(jnp.float32)
    out = _sc_gather(ids, table, nch, hidden)
    return out.reshape(batch, seq, hidden)

# --- scband reference (transcript-rebuilt; emitter-appended) ---
"""Pipeline reference for scband-dummy-backbone-regression-7834020348072 (READ-ONLY COPY).

The authoritative reference and input builder live on the scoring server;
editing this copy changes nothing except your own understanding.
"""

import jax, jax.numpy as jnp
import numpy as np

VOCAB = 256
HIDDEN = 128
BATCH = 4
SEQ = 8192

def setup_inputs(seed: int = 0) -> dict:
    key = jax.random.key(seed)
    k_ids, k_emb = jax.random.split(key)
    input_ids = jax.random.randint(k_ids, (BATCH, SEQ), 0, VOCAB, dtype=jnp.int64 if jax.config.jax_enable_x64 else jnp.int32)
    attention_mask = jnp.ones((BATCH, SEQ), dtype=input_ids.dtype)
    # nn.Embedding(256, hidden_size) weight ~ N(0, 1)
    embed_weight = jax.random.normal(k_emb, (VOCAB, HIDDEN), dtype=jnp.float32)
    return {"input_ids": input_ids, "attention_mask": attention_mask, "embed_weight": embed_weight}

def reference(input_ids, attention_mask, embed_weight):
    # h = self.embed(input_ids); attention_mask is accepted but unused in forward
    h = jnp.take(embed_weight, input_ids, axis=0)
    return h

if __name__ == "__main__":
    import jax
    _d = setup_inputs()
    print(jax.jit(kernel)(*tuple(_d.values())))

</pallas_src>

<mosaic_0001>
#map = affine_map<(d0, d1) -> (0)>
#map1 = affine_map<(d0, d1) -> (0, 0)>
#map2 = affine_map<(d0, d1) -> (0, 0, 0)>
module attributes {stable_mosaic.version = 14 : i64} {
  func.func @body(%arg0: i32, %arg1: i32, %arg2: memref<32768xi32, #tpu.memory_space<hbm>>, %arg3: memref<256x128xf32, #tpu.memory_space<hbm>>, %arg4: memref<256x128x128xf32, #tpu.memory_space<hbm>>, %arg5: memref<1024xi32, #tpu.memory_space<vmem>>, %arg6: memref<1x128x128xf32, #tpu.memory_space<vmem>>, %arg7: memref<1x128x128xf32, #tpu.memory_space<vmem>>, %arg8: memref<1x128x128xf32, #tpu.memory_space<vmem>>, %arg9: memref<256x128xf32, #tpu.memory_space<vmem_shared>>, %arg10: memref<!tpu.dma_semaphore, #tpu.memory_space<semaphore_mem>>, %arg11: memref<!tpu.dma_semaphore, #tpu.memory_space<semaphore_mem>>, %arg12: memref<!tpu.dma_semaphore, #tpu.memory_space<semaphore_mem>>, %arg13: memref<!tpu.dma_semaphore, #tpu.memory_space<semaphore_mem>>, %arg14: memref<!tpu.dma_semaphore, #tpu.memory_space<semaphore_mem>>, %arg15: memref<!tpu.dma_semaphore, #tpu.memory_space<semaphore_mem>>) attributes {dimension_semantics = [#tpu.dimension_semantics<core_parallel>, #tpu.dimension_semantics<subcore_parallel>], iteration_bounds = array<i64: 2, 16>, scalar_prefetch = 0 : i64, scratch_operands = 11 : i64, tpu.core_type = #tpu.core_type<sc_vector_subcore>, window_params = [{transform_indices = #map}, {transform_indices = #map1}, {transform_indices = #map2}]} {
    %mul3A = arith.constant 2 : i32
    %mul3A_0 = arith.muli %arg1, %mul3A : i32
    %add3A = arith.addi %mul3A_0, %arg0 : i32
    %mul3A_1 = arith.constant 8 : i32
    %mul3A_2 = arith.muli %add3A, %mul3A_1 : i32
    %eq3A = arith.constant 0 : i32
    %eq3A_3 = arith.cmpi eq, %arg1, %eq3A : i32
    %convert_element_type3A = arith.extui %eq3A_3 : i1 to i32
    %cond3A = arith.constant 0 : i32
    %cond3A_4 = arith.cmpi ne, %convert_element_type3A, %cond3A : i32
    scf.if %cond3A_4 {
      "tpu.region"() ({
        %run_scoped3A = tpu.sem_alloc : memref<!tpu.dma_semaphore, #tpu.memory_space<semaphore_mem>>
        tpu.enqueue_dma source(%arg3 : memref<256x128xf32, #tpu.memory_space<hbm>>) target(%arg9 : memref<256x128xf32, #tpu.memory_space<vmem_shared>>) target_semaphore(%run_scoped3A : memref<!tpu.dma_semaphore, #tpu.memory_space<semaphore_mem>>)
        tpu.wait_dma2 semaphore(%run_scoped3A : memref<!tpu.dma_semaphore, #tpu.memory_space<semaphore_mem>>) src(%arg3 : memref<256x128xf32, #tpu.memory_space<hbm>>) dst(%arg9 : memref<256x128xf32, #tpu.memory_space<vmem_shared>>)
        tpu.yield
      }) : () -> ()
    } else {
    }
    %mul3A_5 = arith.constant 8 : i32
    %mul3A_6 = arith.muli %add3A, %mul3A_5 : i32
    %mul3A_7 = arith.constant 128 : i32
    %mul3A_8 = arith.muli %mul3A_6, %mul3A_7 : i32
    "tpu.region"() ({
      %run_scoped3A = tpu.sem_alloc : memref<!tpu.dma_semaphore, #tpu.memory_space<semaphore_mem>>
      %dma_start3A_279 = tpu.memref_slice %arg2[%mul3A_8] : memref<32768xi32, #tpu.memory_space<hbm>> -> memref<1024xi32, #tpu.memory_space<hbm>>
      %dma_start3A_280 = tpu.memref_slice %arg2[%mul3A_8] : memref<32768xi32, #tpu.memory_space<hbm>> -> memref<1024xi32, #tpu.memory_space<hbm>>
      tpu.enqueue_dma source(%dma_start3A_280 : memref<1024xi32, #tpu.memory_space<hbm>>) target(%arg5 : memref<1024xi32, #tpu.memory_space<vmem>>) target_semaphore(%run_scoped3A : memref<!tpu.dma_semaphore, #tpu.memory_space<semaphore_mem>>)
      %dma_wait3A_281 = tpu.memref_slice %arg2[%mul3A_8] : memref<32768xi32, #tpu.memory_space<hbm>> -> memref<1024xi32, #tpu.memory_space<hbm>>
      %dma_wait3A_282 = tpu.memref_slice %arg2[%mul3A_8] : memref<32768xi32, #tpu.memory_space<hbm>> -> memref<1024xi32, #tpu.memory_space<hbm>>
      tpu.wait_dma2 semaphore(%run_scoped3A : memref<!tpu.dma_semaphore, #tpu.memory_space<semaphore_mem>>) src(%dma_wait3A_282 : memref<1024xi32, #tpu.memory_space<hbm>>) dst(%arg5 : memref<1024xi32, #tpu.memory_space<vmem>>)
      tpu.yield
    }) : () -> ()
    %barrier3A = arith.constant 0 : index
    tpu.barrier barrier_id(%barrier3A)
    %dma_start3A = arith.constant 0 : i32
    %dma_start3A_9 = arith.constant 0 : i32
    %dma_start3A_10 = arith.constant 0 : i32
    %dma_start3A_11 = tpu.memref_slice %arg6[%dma_start3A, %dma_start3A_9, %dma_start3A_10] : memref<1x128x128xf32, #tpu.memory_space<vmem>> -> memref<1x128x128xf32, #tpu.memory_space<vmem>>
    %dma_start3A_12 = tpu.memref_squeeze %dma_start3A_11 : memref<1x128x128xf32, #tpu.memory_space<vmem>> -> memref<128x128xf32, #tpu.memory_space<vmem>>
    %dma_start3A_13 = arith.constant 0 : i32
    %dma_start3A_14 = tpu.memref_slice %arg5[%dma_start3A_13] : memref<1024xi32, #tpu.memory_space<vmem>> -> memref<128xi32, #tpu.memory_space<vmem>>
    %dma_start3A_15 = arith.constant 0 : i32
    %dma_start3A_16 = arith.constant 0 : i32
    %dma_start3A_17 = tpu.memref_slice %arg9[%dma_start3A_15, %dma_start3A_16] : memref<256x128xf32, #tpu.memory_space<vmem_shared>> -> memref<256x128xf32, #tpu.memory_space<vmem_shared>>
    tpu.enqueue_indirect_dma source(%dma_start3A_17 : memref<256x128xf32, #tpu.memory_space<vmem_shared>>) target(%dma_start3A_12 : memref<128x128xf32, #tpu.memory_space<vmem>>) offsets(%dma_start3A_14 : memref<128xi32, #tpu.memory_space<vmem>>) semaphore(%arg10 : memref<!tpu.dma_semaphore, #tpu.memory_space<semaphore_mem>>)
    %dma_start3A_18 = arith.constant 0 : i32
    %dma_start3A_19 = arith.constant 0 : i32
    %dma_start3A_20 = arith.constant 0 : i32
    %dma_start3A_21 = tpu.memref_slice %arg7[%dma_start3A_18, %dma_start3A_19, %dma_start3A_20] : memref<1x128x128xf32, #tpu.memory_space<vmem>> -> memref<1x128x128xf32, #tpu.memory_space<vmem>>
    %dma_start3A_22 = tpu.memref_squeeze %dma_start3A_21 : memref<1x128x128xf32, #tpu.memory_space<vmem>> -> memref<128x128xf32, #tpu.memory_space<vmem>>
    %dma_start3A_23 = arith.constant 128 : i32
    %dma_start3A_24 = tpu.memref_slice %arg5[%dma_start3A_23] : memref<1024xi32, #tpu.memory_space<vmem>> -> memref<128xi32, #tpu.memory_space<vmem>>
    %dma_start3A_25 = arith.constant 0 : i32
    %dma_start3A_26 = arith.constant 0 : i32
    %dma_start3A_27 = tpu.memref_slice %arg9[%dma_start3A_25, %dma_start3A_26] : memref<256x128xf32, #tpu.memory_space<vmem_shared>> -> memref<256x128xf32, #tpu.memory_space<vmem_shared>>
    tpu.enqueue_indirect_dma source(%dma_start3A_27 : memref<256x128xf32, #tpu.memory_space<vmem_shared>>) target(%dma_start3A_22 : memref<128x128xf32, #tpu.memory_space<vmem>>) offsets(%dma_start3A_24 : memref<128xi32, #tpu.memory_space<vmem>>) semaphore(%arg11 : memref<!tpu.dma_semaphore, #tpu.memory_space<semaphore_mem>>)
    %dma_start3A_28 = arith.constant 0 : i32
    %dma_start3A_29 = arith.constant 0 : i32
    %dma_start3A_30 = arith.constant 0 : i32
    %dma_start3A_31 = tpu.memref_slice %arg8[%dma_start3A_28, %dma_start3A_29, %dma_start3A_30] : memref<1x128x128xf32, #tpu.memory_space<vmem>> -> memref<1x128x128xf32, #tpu.memory_space<vmem>>
    %dma_start3A_32 = tpu.memref_squeeze %dma_start3A_31 : memref<1x128x128xf32, #tpu.memory_space<vmem>> -> memref<128x128xf32, #tpu.memory_space<vmem>>
    %dma_start3A_33 = arith.constant 256 : i32
    %dma_start3A_34 = tpu.memref_slice %arg5[%dma_start3A_33] : memref<1024xi32, #tpu.memory_space<vmem>> -> memref<128xi32, #tpu.memory_space<vmem>>
    %dma_start3A_35 = arith.constant 0 : i32
    %dma_start3A_36 = arith.constant 0 : i32
    %dma_start3A_37 = tpu.memref_slice %arg9[%dma_start3A_35, %dma_start3A_36] : memref<256x128xf32, #tpu.memory_space<vmem_shared>> -> memref<256x128xf32, #tpu.memory_space<vmem_shared>>
    tpu.enqueue_indirect_dma source(%dma_start3A_37 : memref<256x128xf32, #tpu.memory_space<vmem_shared>>) target(%dma_start3A_32 : memref<128x128xf32, #tpu.memory_space<vmem>>) offsets(%dma_start3A_34 : memref<128xi32, #tpu.memory_space<vmem>>) semaphore(%arg12 : memref<!tpu.dma_semaphore, #tpu.memory_space<semaphore_mem>>)
    %dma_wait3A = arith.constant 0 : i32
    %dma_wait3A_38 = arith.constant 0 : i32
    %dma_wait3A_39 = arith.constant 0 : i32
    %dma_wait3A_40 = tpu.memref_slice %arg6[%dma_wait3A, %dma_wait3A_38, %dma_wait3A_39] : memref<1x128x128xf32, #tpu.memory_space<vmem>> -> memref<1x128x128xf32, #tpu.memory_space<vmem>>
    %dma_wait3A_41 = tpu.memref_squeeze %dma_wait3A_40 : memref<1x128x128xf32, #tpu.memory_space<vmem>> -> memref<128x128xf32, #tpu.memory_space<vmem>>
    %dma_wait3A_42 = arith.constant 0 : i32
    %dma_wait3A_43 = tpu.memref_slice %arg5[%dma_wait3A_42] : memref<1024xi32, #tpu.memory_space<vmem>> -> memref<128xi32, #tpu.memory_space<vmem>>
    %dma_wait3A_44 = arith.constant 0 : i32
    %dma_wait3A_45 = arith.constant 0 : i32
    %dma_wait3A_46 = tpu.memref_slice %arg9[%dma_wait3A_44, %dma_wait3A_45] : memref<256x128xf32, #tpu.memory_space<vmem_shared>> -> memref<256x128xf32, #tpu.memory_space<vmem_shared>>
    tpu.wait_indirect_dma semaphore(%arg10 : memref<!tpu.dma_semaphore, #tpu.memory_space<semaphore_mem>>) src(%dma_wait3A_46 : memref<256x128xf32, #tpu.memory_space<vmem_shared>>) dst(%dma_wait3A_41 : memref<128x128xf32, #tpu.memory_space<vmem>>)
    %add3A_47 = arith.constant 0 : i32
    %add3A_48 = arith.addi %mul3A_2, %add3A_47 : i32
    %dma_start3A_49 = arith.constant 0 : i32
    %dma_start3A_50 = arith.constant 0 : i32
    %dma_start3A_51 = tpu.memref_slice %arg4[%add3A_48, %dma_start3A_49, %dma_start3A_50] : memref<256x128x128xf32, #tpu.memory_space<hbm>> -> memref<1x128x128xf32, #tpu.memory_space<hbm>>
    %dma_start3A_52 = arith.constant 0 : i32
    %dma_start3A_53 = arith.constant 0 : i32
    %dma_start3A_54 = tpu.memref_slice %arg4[%add3A_48, %dma_start3A_52, %dma_start3A_53] : memref<256x128x128xf32, #tpu.memory_space<hbm>> -> memref<1x128x128xf32, #tpu.memory_space<hbm>>
    tpu.enqueue_dma source(%arg6 : memref<1x128x128xf32, #tpu.memory_space<vmem>>) target(%dma_start3A_54 : memref<1x128x128xf32, #tpu.memory_space<hbm>>) target_semaphore(%arg13 : memref<!tpu.dma_semaphore, #tpu.memory_space<semaphore_mem>>)
    %dma_wait3A_55 = arith.constant 0 : i32
    %dma_wait3A_56 = arith.constant 0 : i32
    %dma_wait3A_57 = tpu.memref_slice %arg4[%add3A_48, %dma_wait3A_55, %dma_wait3A_56] : memref<256x128x128xf32, #tpu.memory_space<hbm>> -> memref<1x128x128xf32, #tpu.memory_space<hbm>>
    %dma_wait3A_58 = arith.constant 0 : i32
    %dma_wait3A_59 = arith.constant 0 : i32
    %dma_wait3A_60 = tpu.memref_slice %arg4[%add3A_48, %dma_wait3A_58, %dma_wait3A_59] : memref<256x128x128xf32, #tpu.memory_space<hbm>> -> memref<1x128x128xf32, #tpu.memory_space<hbm>>
    tpu.wait_dma2 semaphore(%arg13 : memref<!tpu.dma_semaphore, #tpu.memory_space<semaphore_mem>>) src(%arg6 : memref<1x128x128xf32, #tpu.memory_space<vmem>>) dst(%dma_wait3A_60 : memref<1x128x128xf32, #tpu.memory_space<hbm>>)
    %dma_start3A_61 = arith.constant 0 : i32
    %dma_start3A_62 = arith.constant 0 : i32
    %dma_start3A_63 = arith.constant 0 : i32
    %dma_start3A_64 = tpu.memref_slice %arg6[%dma_start3A_61, %dma_start3A_62, %dma_start3A_63] : memref<1x128x128xf32, #tpu.memory_space<vmem>> -> memref<1x128x128xf32, #tpu.memory_space<vmem>>
    %dma_start3A_65 = tpu.memref_squeeze %dma_start3A_64 : memref<1x128x128xf32, #tpu.memory_space<vmem>> -> memref<128x128xf32, #tpu.memory_space<vmem>>
    %dma_start3A_66 = arith.constant 384 : i32
    %dma_start3A_67 = tpu.memref_slice %arg5[%dma_start3A_66] : memref<1024xi32, #tpu.memory_space<vmem>> -> memref<128xi32, #tpu.memory_space<vmem>>
    %dma_start3A_68 = arith.constant 0 : i32
    %dma_start3A_69 = arith.constant 0 : i32
    %dma_start3A_70 = tpu.memref_slice %arg9[%dma_start3A_68, %dma_start3A_69] : memref<256x128xf32, #tpu.memory_space<vmem_shared>> -> memref<256x128xf32, #tpu.memory_space<vmem_shared>>
    tpu.enqueue_indirect_dma source(%dma_start3A_70 : memref<256x128xf32, #tpu.memory_space<vmem_shared>>) target(%dma_start3A_65 : memref<128x128xf32, #tpu.memory_space<vmem>>) offsets(%dma_start3A_67 : memref<128xi32, #tpu.memory_space<vmem>>) semaphore(%arg10 : memref<!tpu.dma_semaphore, #tpu.memory_space<semaphore_mem>>)
    %dma_wait3A_71 = arith.constant 0 : i32
    %dma_wait3A_72 = arith.constant 0 : i32
    %dma_wait3A_73 = arith.constant 0 : i32
    %dma_wait3A_74 = tpu.memref_slice %arg7[%dma_wait3A_71, %dma_wait3A_72, %dma_wait3A_73] : memref<1x128x128xf32, #tpu.memory_space<vmem>> -> memref<1x128x128xf32, #tpu.memory_space<vmem>>
    %dma_wait3A_75 = tpu.memref_squeeze %dma_wait3A_74 : memref<1x128x128xf32, #tpu.memory_space<vmem>> -> memref<128x128xf32, #tpu.memory_space<vmem>>
    %dma_wait3A_76 = arith.constant 128 : i32
    %dma_wait3A_77 = tpu.memref_slice %arg5[%dma_wait3A_76] : memref<1024xi32, #tpu.memory_space<vmem>> -> memref<128xi32, #tpu.memory_space<vmem>>
    %dma_wait3A_78 = arith.constant 0 : i32
    %dma_wait3A_79 = arith.constant 0 : i32
    %dma_wait3A_80 = tpu.memref_slice %arg9[%dma_wait3A_78, %dma_wait3A_79] : memref<256x128xf32, #tpu.memory_space<vmem_shared>> -> memref<256x128xf32, #tpu.memory_space<vmem_shared>>
    tpu.wait_indirect_dma semaphore(%arg11 : memref<!tpu.dma_semaphore, #tpu.memory_space<semaphore_mem>>) src(%dma_wait3A_80 : memref<256x128xf32, #tpu.memory_space<vmem_shared>>) dst(%dma_wait3A_75 : memref<128x128xf32, #tpu.memory_space<vmem>>)
    %add3A_81 = arith.constant 1 : i32
    %add3A_82 = arith.addi %mul3A_2, %add3A_81 : i32
    %dma_start3A_83 = arith.constant 0 : i32
    %dma_start3A_84 = arith.constant 0 : i32
    %dma_start3A_85 = tpu.memref_slice %arg4[%add3A_82, %dma_start3A_83, %dma_start3A_84] : memref<256x128x128xf32, #tpu.memory_space<hbm>> -> memref<1x128x128xf32, #tpu.memory_space<hbm>>
    %dma_start3A_86 = arith.constant 0 : i32
    %dma_start3A_87 = arith.constant 0 : i32
    %dma_start3A_88 = tpu.memref_slice %arg4[%add3A_82, %dma_start3A_86, %dma_start3A_87] : memref<256x128x128xf32, #tpu.memory_space<hbm>> -> memref<1x128x128xf32, #tpu.memory_space<hbm>>
    tpu.enqueue_dma source(%arg7 : memref<1x128x128xf32, #tpu.memory_space<vmem>>) target(%dma_start3A_88 : memref<1x128x128xf32, #tpu.memory_space<hbm>>) target_semaphore(%arg14 : memref<!tpu.dma_semaphore, #tpu.memory_space<semaphore_mem>>)
    %dma_wait3A_89 = arith.constant 0 : i32
    %dma_wait3A_90 = arith.constant 0 : i32
    %dma_wait3A_91 = tpu.memref_slice %arg4[%add3A_82, %dma_wait3A_89, %dma_wait3A_90] : memref<256x128x128xf32, #tpu.memory_space<hbm>> -> memref<1x128x128xf32, #tpu.memory_space<hbm>>
    %dma_wait3A_92 = arith.constant 0 : i32
    %dma_wait3A_93 = arith.constant 0 : i32
    %dma_wait3A_94 = tpu.memref_slice %arg4[%add3A_82, %dma_wait3A_92, %dma_wait3A_93] : memref<256x128x128xf32, #tpu.memory_space<hbm>> -> memref<1x128x128xf32, #tpu.memory_space<hbm>>
    tpu.wait_dma2 semaphore(%arg14 : memref<!tpu.dma_semaphore, #tpu.memory_space<semaphore_mem>>) src(%arg7 : memref<1x128x128xf32, #tpu.memory_space<vmem>>) dst(%dma_wait3A_94 : memref<1x128x128xf32, #tpu.memory_space<hbm>>)
    %dma_start3A_95 = arith.constant 0 : i32
    %dma_start3A_96 = arith.constant 0 : i32
    %dma_start3A_97 = arith.constant 0 : i32
    %dma_start3A_98 = tpu.memref_slice %arg7[%dma_start3A_95, %dma_start3A_96, %dma_start3A_97] : memref<1x128x128xf32, #tpu.memory_space<vmem>> -> memref<1x128x128xf32, #tpu.memory_space<vmem>>
    %dma_start3A_99 = tpu.memref_squeeze %dma_start3A_98 : memref<1x128x128xf32, #tpu.memory_space<vmem>> -> memref<128x128xf32, #tpu.memory_space<vmem>>
    %dma_start3A_100 = arith.constant 512 : i32
    %dma_start3A_101 = tpu.memref_slice %arg5[%dma_start3A_100] : memref<1024xi32, #tpu.memory_space<vmem>> -> memref<128xi32, #tpu.memory_space<vmem>>
    %dma_start3A_102 = arith.constant 0 : i32
    %dma_start3A_103 = arith.constant 0 : i32
    %dma_start3A_104 = tpu.memref_slice %arg9[%dma_start3A_102, %dma_start3A_103] : memref<256x128xf32, #tpu.memory_space<vmem_shared>> -> memref<256x128xf32, #tpu.memory_space<vmem_shared>>
    tpu.enqueue_indirect_dma source(%dma_start3A_104 : memref<256x128xf32, #tpu.memory_space<vmem_shared>>) target(%dma_start3A_99 : memref<128x128xf32, #tpu.memory_space<vmem>>) offsets(%dma_start3A_101 : memref<128xi32, #tpu.memory_space<vmem>>) semaphore(%arg11 : memref<!tpu.dma_semaphore, #tpu.memory_space<semaphore_mem>>)
    %dma_wait3A_105 = arith.constant 0 : i32
    %dma_wait3A_106 = arith.constant 0 : i32
    %dma_wait3A_107 = arith.constant 0 : i32
    %dma_wait3A_108 = tpu.memref_slice %arg8[%dma_wait3A_105, %dma_wait3A_106, %dma_wait3A_107] : memref<1x128x128xf32, #tpu.memory_space<vmem>> -> memref<1x128x128xf32, #tpu.memory_space<vmem>>
    %dma_wait3A_109 = tpu.memref_squeeze %dma_wait3A_108 : memref<1x128x128xf32, #tpu.memory_space<vmem>> -> memref<128x128xf32, #tpu.memory_space<vmem>>
    %dma_wait3A_110 = arith.constant 256 : i32
    %dma_wait3A_111 = tpu.memref_slice %arg5[%dma_wait3A_110] : memref<1024xi32, #tpu.memory_space<vmem>> -> memref<128xi32, #tpu.memory_space<vmem>>
    %dma_wait3A_112 = arith.constant 0 : i32
    %dma_wait3A_113 = arith.constant 0 : i32
    %dma_wait3A_114 = tpu.memref_slice %arg9[%dma_wait3A_112, %dma_wait3A_113] : memref<256x128xf32, #tpu.memory_space<vmem_shared>> -> memref<256x128xf32, #tpu.memory_space<vmem_shared>>
    tpu.wait_indirect_dma semaphore(%arg12 : memref<!tpu.dma_semaphore, #tpu.memory_space<semaphore_mem>>) src(%dma_wait3A_114 : memref<256x128xf32, #tpu.memory_space<vmem_shared>>) dst(%dma_wait3A_109 : memref<128x128xf32, #tpu.memory_space<vmem>>)
    %add3A_115 = arith.constant 2 : i32
    %add3A_116 = arith.addi %mul3A_2, %add3A_115 : i32
    %dma_start3A_117 = arith.constant 0 : i32
    %dma_start3A_118 = arith.constant 0 : i32
    %dma_start3A_119 = tpu.memref_slice %arg4[%add3A_116, %dma_start3A_117, %dma_start3A_118] : memref<256x128x128xf32, #tpu.memory_space<hbm>> -> memref<1x128x128xf32, #tpu.memory_space<hbm>>
    %dma_start3A_120 = arith.constant 0 : i32
    %dma_start3A_121 = arith.constant 0 : i32
    %dma_start3A_122 = tpu.memref_slice %arg4[%add3A_116, %dma_start3A_120, %dma_start3A_121] : memref<256x128x128xf32, #tpu.memory_space<hbm>> -> memref<1x128x128xf32, #tpu.memory_space<hbm>>
    tpu.enqueue_dma source(%arg8 : memref<1x128x128xf32, #tpu.memory_space<vmem>>) target(%dma_start3A_122 : memref<1x128x128xf32, #tpu.memory_space<hbm>>) target_semaphore(%arg15 : memref<!tpu.dma_semaphore, #tpu.memory_space<semaphore_mem>>)
    %dma_wait3A_123 = arith.constant 0 : i32
    %dma_wait3A_124 = arith.constant 0 : i32
    %dma_wait3A_125 = tpu.memref_slice %arg4[%add3A_116, %dma_wait3A_123, %dma_wait3A_124] : memref<256x128x128xf32, #tpu.memory_space<hbm>> -> memref<1x128x128xf32, #tpu.memory_space<hbm>>
    %dma_wait3A_126 = arith.constant 0 : i32
    %dma_wait3A_127 = arith.constant 0 : i32
    %dma_wait3A_128 = tpu.memref_slice %arg4[%add3A_116, %dma_wait3A_126, %dma_wait3A_127] : memref<256x128x128xf32, #tpu.memory_space<hbm>> -> memref<1x128x128xf32, #tpu.memory_space<hbm>>
    tpu.wait_dma2 semaphore(%arg15 : memref<!tpu.dma_semaphore, #tpu.memory_space<semaphore_mem>>) src(%arg8 : memref<1x128x128xf32, #tpu.memory_space<vmem>>) dst(%dma_wait3A_128 : memref<1x128x128xf32, #tpu.memory_space<hbm>>)
    %dma_start3A_129 = arith.constant 0 : i32
    %dma_start3A_130 = arith.constant 0 : i32
    %dma_start3A_131 = arith.constant 0 : i32
    %dma_start3A_132 = tpu.memref_slice %arg8[%dma_start3A_129, %dma_start3A_130, %dma_start3A_131] : memref<1x128x128xf32, #tpu.memory_space<vmem>> -> memref<1x128x128xf32, #tpu.memory_space<vmem>>
    %dma_start3A_133 = tpu.memref_squeeze %dma_start3A_132 : memref<1x128x128xf32, #tpu.memory_space<vmem>> -> memref<128x128xf32, #tpu.memory_space<vmem>>
    %dma_start3A_134 = arith.constant 640 : i32
    %dma_start3A_135 = tpu.memref_slice %arg5[%dma_start3A_134] : memref<1024xi32, #tpu.memory_space<vmem>> -> memref<128xi32, #tpu.memory_space<vmem>>
    %dma_start3A_136 = arith.constant 0 : i32
    %dma_start3A_137 = arith.constant 0 : i32
    %dma_start3A_138 = tpu.memref_slice %arg9[%dma_start3A_136, %dma_start3A_137] : memref<256x128xf32, #tpu.memory_space<vmem_shared>> -> memref<256x128xf32, #tpu.memory_space<vmem_shared>>
    tpu.enqueue_indirect_dma source(%dma_start3A_138 : memref<256x128xf32, #tpu.memory_space<vmem_shared>>) target(%dma_start3A_133 : memref<128x128xf32, #tpu.memory_space<vmem>>) offsets(%dma_start3A_135 : memref<128xi32, #tpu.memory_space<vmem>>) semaphore(%arg12 : memref<!tpu.dma_semaphore, #tpu.memory_space<semaphore_mem>>)
    %dma_wait3A_139 = arith.constant 0 : i32
    %dma_wait3A_140 = arith.constant 0 : i32
    %dma_wait3A_141 = arith.constant 0 : i32
    %dma_wait3A_142 = tpu.memref_slice %arg6[%dma_wait3A_139, %dma_wait3A_140, %dma_wait3A_141] : memref<1x128x128xf32, #tpu.memory_space<vmem>> -> memref<1x128x128xf32, #tpu.memory_space<vmem>>
    %dma_wait3A_143 = tpu.memref_squeeze %dma_wait3A_142 : memref<1x128x128xf32, #tpu.memory_space<vmem>> -> memref<128x128xf32, #tpu.memory_space<vmem>>
    %dma_wait3A_144 = arith.constant 384 : i32
    %dma_wait3A_145 = tpu.memref_slice %arg5[%dma_wait3A_144] : memref<1024xi32, #tpu.memory_space<vmem>> -> memref<128xi32, #tpu.memory_space<vmem>>
    %dma_wait3A_146 = arith.constant 0 : i32
    %dma_wait3A_147 = arith.constant 0 : i32
    %dma_wait3A_148 = tpu.memref_slice %arg9[%dma_wait3A_146, %dma_wait3A_147] : memref<256x128xf32, #tpu.memory_space<vmem_shared>> -> memref<256x128xf32, #tpu.memory_space<vmem_shared>>
    tpu.wait_indirect_dma semaphore(%arg10 : memref<!tpu.dma_semaphore, #tpu.memory_space<semaphore_mem>>) src(%dma_wait3A_148 : memref<256x128xf32, #tpu.memory_space<vmem_shared>>) dst(%dma_wait3A_143 : memref<128x128xf32, #tpu.memory_space<vmem>>)
    %add3A_149 = arith.constant 3 : i32
    %add3A_150 = arith.addi %mul3A_2, %add3A_149 : i32
    %dma_start3A_151 = arith.constant 0 : i32
    %dma_start3A_152 = arith.constant 0 : i32
    %dma_start3A_153 = tpu.memref_slice %arg4[%add3A_150, %dma_start3A_151, %dma_start3A_152] : memref<256x128x128xf32, #tpu.memory_space<hbm>> -> memref<1x128x128xf32, #tpu.memory_space<hbm>>
    %dma_start3A_154 = arith.constant 0 : i32
    %dma_start3A_155 = arith.constant 0 : i32
    %dma_start3A_156 = tpu.memref_slice %arg4[%add3A_150, %dma_start3A_154, %dma_start3A_155] : memref<256x128x128xf32, #tpu.memory_space<hbm>> -> memref<1x128x128xf32, #tpu.memory_space<hbm>>
    tpu.enqueue_dma source(%arg6 : memref<1x128x128xf32, #tpu.memory_space<vmem>>) target(%dma_start3A_156 : memref<1x128x128xf32, #tpu.memory_space<hbm>>) target_semaphore(%arg13 : memref<!tpu.dma_semaphore, #tpu.memory_space<semaphore_mem>>)
    %dma_wait3A_157 = arith.constant 0 : i32
    %dma_wait3A_158 = arith.constant 0 : i32
    %dma_wait3A_159 = tpu.memref_slice %arg4[%add3A_150, %dma_wait3A_157, %dma_wait3A_158] : memref<256x128x128xf32, #tpu.memory_space<hbm>> -> memref<1x128x128xf32, #tpu.memory_space<hbm>>
    %dma_wait3A_160 = arith.constant 0 : i32
    %dma_wait3A_161 = arith.constant 0 : i32
    %dma_wait3A_162 = tpu.memref_slice %arg4[%add3A_150, %dma_wait3A_160, %dma_wait3A_161] : memref<256x128x128xf32, #tpu.memory_space<hbm>> -> memref<1x128x128xf32, #tpu.memory_space<hbm>>
    tpu.wait_dma2 semaphore(%arg13 : memref<!tpu.dma_semaphore, #tpu.memory_space<semaphore_mem>>) src(%arg6 : memref<1x128x128xf32, #tpu.memory_space<vmem>>) dst(%dma_wait3A_162 : memref<1x128x128xf32, #tpu.memory_space<hbm>>)
    %dma_start3A_163 = arith.constant 0 : i32
    %dma_start3A_164 = arith.constant 0 : i32
    %dma_start3A_165 = arith.constant 0 : i32
    %dma_start3A_166 = tpu.memref_slice %arg6[%dma_start3A_163, %dma_start3A_164, %dma_start3A_165] : memref<1x128x128xf32, #tpu.memory_space<vmem>> -> memref<1x128x128xf32, #tpu.memory_space<vmem>>
    %dma_start3A_167 = tpu.memref_squeeze %dma_start3A_166 : memref<1x128x128xf32, #tpu.memory_space<vmem>> -> memref<128x128xf32, #tpu.memory_space<vmem>>
    %dma_start3A_168 = arith.constant 768 : i32
    %dma_start3A_169 = tpu.memref_slice %arg5[%dma_start3A_168] : memref<1024xi32, #tpu.memory_space<vmem>> -> memref<128xi32, #tpu.memory_space<vmem>>
    %dma_start3A_170 = arith.constant 0 : i32
    %dma_start3A_171 = arith.constant 0 : i32
    %dma_start3A_172 = tpu.memref_slice %arg9[%dma_start3A_170, %dma_start3A_171] : memref<256x128xf32, #tpu.memory_space<vmem_shared>> -> memref<256x128xf32, #tpu.memory_space<vmem_shared>>
    tpu.enqueue_indirect_dma source(%dma_start3A_172 : memref<256x128xf32, #tpu.memory_space<vmem_shared>>) target(%dma_start3A_167 : memref<128x128xf32, #tpu.memory_space<vmem>>) offsets(%dma_start3A_169 : memref<128xi32, #tpu.memory_space<vmem>>) semaphore(%arg10 : memref<!tpu.dma_semaphore, #tpu.memory_space<semaphore_mem>>)
    %dma_wait3A_173 = arith.constant 0 : i32
    %dma_wait3A_174 = arith.constant 0 : i32
    %dma_wait3A_175 = arith.constant 0 : i32
    %dma_wait3A_176 = tpu.memref_slice %arg7[%dma_wait3A_173, %dma_wait3A_174, %dma_wait3A_175] : memref<1x128x128xf32, #tpu.memory_space<vmem>> -> memref<1x128x128xf32, #tpu.memory_space<vmem>>
    %dma_wait3A_177 = tpu.memref_squeeze %dma_wait3A_176 : memref<1x128x128xf32, #tpu.memory_space<vmem>> -> memref<128x128xf32, #tpu.memory_space<vmem>>
    %dma_wait3A_178 = arith.constant 512 : i32
    %dma_wait3A_179 = tpu.memref_slice %arg5[%dma_wait3A_178] : memref<1024xi32, #tpu.memory_space<vmem>> -> memref<128xi32, #tpu.memory_space<vmem>>
    %dma_wait3A_180 = arith.constant 0 : i32
    %dma_wait3A_181 = arith.constant 0 : i32
    %dma_wait3A_182 = tpu.memref_slice %arg9[%dma_wait3A_180, %dma_wait3A_181] : memref<256x128xf32, #tpu.memory_space<vmem_shared>> -> memref<256x128xf32, #tpu.memory_space<vmem_shared>>
    tpu.wait_indirect_dma semaphore(%arg11 : memref<!tpu.dma_semaphore, #tpu.memory_space<semaphore_mem>>) src(%dma_wait3A_182 : memref<256x128xf32, #tpu.memory_space<vmem_shared>>) dst(%dma_wait3A_177 : memref<128x128xf32, #tpu.memory_space<vmem>>)
    %add3A_183 = arith.constant 4 : i32
    %add3A_184 = arith.addi %mul3A_2, %add3A_183 : i32
    %dma_start3A_185 = arith.constant 0 : i32
    %dma_start3A_186 = arith.constant 0 : i32
    %dma_start3A_187 = tpu.memref_slice %arg4[%add3A_184, %dma_start3A_185, %dma_start3A_186] : memref<256x128x128xf32, #tpu.memory_space<hbm>> -> memref<1x128x128xf32, #tpu.memory_space<hbm>>
    %dma_start3A_188 = arith.constant 0 : i32
    %dma_start3A_189 = arith.constant 0 : i32
    %dma_start3A_190 = tpu.memref_slice %arg4[%add3A_184, %dma_start3A_188, %dma_start3A_189] : memref<256x128x128xf32, #tpu.memory_space<hbm>> -> memref<1x128x128xf32, #tpu.memory_space<hbm>>
    tpu.enqueue_dma source(%arg7 : memref<1x128x128xf32, #tpu.memory_space<vmem>>) target(%dma_start3A_190 : memref<1x128x128xf32, #tpu.memory_space<hbm>>) target_semaphore(%arg14 : memref<!tpu.dma_semaphore, #tpu.memory_space<semaphore_mem>>)
    %dma_wait3A_191 = arith.constant 0 : i32
    %dma_wait3A_192 = arith.constant 0 : i32
    %dma_wait3A_193 = tpu.memref_slice %arg4[%add3A_184, %dma_wait3A_191, %dma_wait3A_192] : memref<256x128x128xf32, #tpu.memory_space<hbm>> -> memref<1x128x128xf32, #tpu.memory_space<hbm>>
    %dma_wait3A_194 = arith.constant 0 : i32
    %dma_wait3A_195 = arith.constant 0 : i32
    %dma_wait3A_196 = tpu.memref_slice %arg4[%add3A_184, %dma_wait3A_194, %dma_wait3A_195] : memref<256x128x128xf32, #tpu.memory_space<hbm>> -> memref<1x128x128xf32, #tpu.memory_space<hbm>>
    tpu.wait_dma2 semaphore(%arg14 : memref<!tpu.dma_semaphore, #tpu.memory_space<semaphore_mem>>) src(%arg7 : memref<1x128x128xf32, #tpu.memory_space<vmem>>) dst(%dma_wait3A_196 : memref<1x128x128xf32, #tpu.memory_space<hbm>>)
    %dma_start3A_197 = arith.constant 0 : i32
    %dma_start3A_198 = arith.constant 0 : i32
    %dma_start3A_199 = arith.constant 0 : i32
    %dma_start3A_200 = tpu.memref_slice %arg7[%dma_start3A_197, %dma_start3A_198, %dma_start3A_199] : memref<1x128x128xf32, #tpu.memory_space<vmem>> -> memref<1x128x128xf32, #tpu.memory_space<vmem>>
    %dma_start3A_201 = tpu.memref_squeeze %dma_start3A_200 : memref<1x128x128xf32, #tpu.memory_space<vmem>> -> memref<128x128xf32, #tpu.memory_space<vmem>>
    %dma_start3A_202 = arith.constant 896 : i32
    %dma_start3A_203 = tpu.memref_slice %arg5[%dma_start3A_202] : memref<1024xi32, #tpu.memory_space<vmem>> -> memref<128xi32, #tpu.memory_space<vmem>>
    %dma_start3A_204 = arith.constant 0 : i32
    %dma_start3A_205 = arith.constant 0 : i32
    %dma_start3A_206 = tpu.memref_slice %arg9[%dma_start3A_204, %dma_start3A_205] : memref<256x128xf32, #tpu.memory_space<vmem_shared>> -> memref<256x128xf32, #tpu.memory_space<vmem_shared>>
    tpu.enqueue_indirect_dma source(%dma_start3A_206 : memref<256x128xf32, #tpu.memory_space<vmem_shared>>) target(%dma_start3A_201 : memref<128x128xf32, #tpu.memory_space<vmem>>) offsets(%dma_start3A_203 : memref<128xi32, #tpu.memory_space<vmem>>) semaphore(%arg11 : memref<!tpu.dma_semaphore, #tpu.memory_space<semaphore_mem>>)
    %dma_wait3A_207 = arith.constant 0 : i32
    %dma_wait3A_208 = arith.constant 0 : i32
    %dma_wait3A_209 = arith.constant 0 : i32
    %dma_wait3A_210 = tpu.memref_slice %arg8[%dma_wait3A_207, %dma_wait3A_208, %dma_wait3A_209] : memref<1x128x128xf32, #tpu.memory_space<vmem>> -> memref<1x128x128xf32, #tpu.memory_space<vmem>>
    %dma_wait3A_211 = tpu.memref_squeeze %dma_wait3A_210 : memref<1x128x128xf32, #tpu.memory_space<vmem>> -> memref<128x128xf32, #tpu.memory_space<vmem>>
    %dma_wait3A_212 = arith.constant 640 : i32
    %dma_wait3A_213 = tpu.memref_slice %arg5[%dma_wait3A_212] : memref<1024xi32, #tpu.memory_space<vmem>> -> memref<128xi32, #tpu.memory_space<vmem>>
    %dma_wait3A_214 = arith.constant 0 : i32
    %dma_wait3A_215 = arith.constant 0 : i32
    %dma_wait3A_216 = tpu.memref_slice %arg9[%dma_wait3A_214, %dma_wait3A_215] : memref<256x128xf32, #tpu.memory_space<vmem_shared>> -> memref<256x128xf32, #tpu.memory_space<vmem_shared>>
    tpu.wait_indirect_dma semaphore(%arg12 : memref<!tpu.dma_semaphore, #tpu.memory_space<semaphore_mem>>) src(%dma_wait3A_216 : memref<256x128xf32, #tpu.memory_space<vmem_shared>>) dst(%dma_wait3A_211 : memref<128x128xf32, #tpu.memory_space<vmem>>)
    %add3A_217 = arith.constant 5 : i32
    %add3A_218 = arith.addi %mul3A_2, %add3A_217 : i32
    %dma_start3A_219 = arith.constant 0 : i32
    %dma_start3A_220 = arith.constant 0 : i32
    %dma_start3A_221 = tpu.memref_slice %arg4[%add3A_218, %dma_start3A_219, %dma_start3A_220] : memref<256x128x128xf32, #tpu.memory_space<hbm>> -> memref<1x128x128xf32, #tpu.memory_space<hbm>>
    %dma_start3A_222 = arith.constant 0 : i32
    %dma_start3A_223 = arith.constant 0 : i32
    %dma_start3A_224 = tpu.memref_slice %arg4[%add3A_218, %dma_start3A_222, %dma_start3A_223] : memref<256x128x128xf32, #tpu.memory_space<hbm>> -> memref<1x128x128xf32, #tpu.memory_space<hbm>>
    tpu.enqueue_dma source(%arg8 : memref<1x128x128xf32, #tpu.memory_space<vmem>>) target(%dma_start3A_224 : memref<1x128x128xf32, #tpu.memory_space<hbm>>) target_semaphore(%arg15 : memref<!tpu.dma_semaphore, #tpu.memory_space<semaphore_mem>>)
    %dma_wait3A_225 = arith.constant 0 : i32
    %dma_wait3A_226 = arith.constant 0 : i32
    %dma_wait3A_227 = arith.constant 0 : i32
    %dma_wait3A_228 = tpu.memref_slice %arg6[%dma_wait3A_225, %dma_wait3A_226, %dma_wait3A_227] : memref<1x128x128xf32, #tpu.memory_space<vmem>> -> memref<1x128x128xf32, #tpu.memory_space<vmem>>
    %dma_wait3A_229 = tpu.memref_squeeze %dma_wait3A_228 : memref<1x128x128xf32, #tpu.memory_space<vmem>> -> memref<128x128xf32, #tpu.memory_space<vmem>>
    %dma_wait3A_230 = arith.constant 768 : i32
    %dma_wait3A_231 = tpu.memref_slice %arg5[%dma_wait3A_230] : memref<1024xi32, #tpu.memory_space<vmem>> -> memref<128xi32, #tpu.memory_space<vmem>>
    %dma_wait3A_232 = arith.constant 0 : i32
    %dma_wait3A_233 = arith.constant 0 : i32
    %dma_wait3A_234 = tpu.memref_slice %arg9[%dma_wait3A_232, %dma_wait3A_233] : memref<256x128xf32, #tpu.memory_space<vmem_shared>> -> memref<256x128xf32, #tpu.memory_space<vmem_shared>>
    tpu.wait_indirect_dma semaphore(%arg10 : memref<!tpu.dma_semaphore, #tpu.memory_space<semaphore_mem>>) src(%dma_wait3A_234 : memref<256x128xf32, #tpu.memory_space<vmem_shared>>) dst(%dma_wait3A_229 : memref<128x128xf32, #tpu.memory_space<vmem>>)
    %add3A_235 = arith.constant 6 : i32
    %add3A_236 = arith.addi %mul3A_2, %add3A_235 : i32
    %dma_start3A_237 = arith.constant 0 : i32
    %dma_start3A_238 = arith.constant 0 : i32
    %dma_start3A_239 = tpu.memref_slice %arg4[%add3A_236, %dma_start3A_237, %dma_start3A_238] : memref<256x128x128xf32, #tpu.memory_space<hbm>> -> memref<1x128x128xf32, #tpu.memory_space<hbm>>
    %dma_start3A_240 = arith.constant 0 : i32
    %dma_start3A_241 = arith.constant 0 : i32
    %dma_start3A_242 = tpu.memref_slice %arg4[%add3A_236, %dma_start3A_240, %dma_start3A_241] : memref<256x128x128xf32, #tpu.memory_space<hbm>> -> memref<1x128x128xf32, #tpu.memory_space<hbm>>
    tpu.enqueue_dma source(%arg6 : memref<1x128x128xf32, #tpu.memory_space<vmem>>) target(%dma_start3A_242 : memref<1x128x128xf32, #tpu.memory_space<hbm>>) target_semaphore(%arg13 : memref<!tpu.dma_semaphore, #tpu.memory_space<semaphore_mem>>)
    %dma_wait3A_243 = arith.constant 0 : i32
    %dma_wait3A_244 = arith.constant 0 : i32
    %dma_wait3A_245 = arith.constant 0 : i32
    %dma_wait3A_246 = tpu.memref_slice %arg7[%dma_wait3A_243, %dma_wait3A_244, %dma_wait3A_245] : memref<1x128x128xf32, #tpu.memory_space<vmem>> -> memref<1x128x128xf32, #tpu.memory_space<vmem>>
    %dma_wait3A_247 = tpu.memref_squeeze %dma_wait3A_246 : memref<1x128x128xf32, #tpu.memory_space<vmem>> -> memref<128x128xf32, #tpu.memory_space<vmem>>
    %dma_wait3A_248 = arith.constant 896 : i32
    %dma_wait3A_249 = tpu.memref_slice %arg5[%dma_wait3A_248] : memref<1024xi32, #tpu.memory_space<vmem>> -> memref<128xi32, #tpu.memory_space<vmem>>
    %dma_wait3A_250 = arith.constant 0 : i32
    %dma_wait3A_251 = arith.constant 0 : i32
    %dma_wait3A_252 = tpu.memref_slice %arg9[%dma_wait3A_250, %dma_wait3A_251] : memref<256x128xf32, #tpu.memory_space<vmem_shared>> -> memref<256x128xf32, #tpu.memory_space<vmem_shared>>
    tpu.wait_indirect_dma semaphore(%arg11 : memref<!tpu.dma_semaphore, #tpu.memory_space<semaphore_mem>>) src(%dma_wait3A_252 : memref<256x128xf32, #tpu.memory_space<vmem_shared>>) dst(%dma_wait3A_247 : memref<128x128xf32, #tpu.memory_space<vmem>>)
    %add3A_253 = arith.constant 7 : i32
    %add3A_254 = arith.addi %mul3A_2, %add3A_253 : i32
    %dma_start3A_255 = arith.constant 0 : i32
    %dma_start3A_256 = arith.constant 0 : i32
    %dma_start3A_257 = tpu.memref_slice %arg4[%add3A_254, %dma_start3A_255, %dma_start3A_256] : memref<256x128x128xf32, #tpu.memory_space<hbm>> -> memref<1x128x128xf32, #tpu.memory_space<hbm>>
    %dma_start3A_258 = arith.constant 0 : i32
    %dma_start3A_259 = arith.constant 0 : i32
    %dma_start3A_260 = tpu.memref_slice %arg4[%add3A_254, %dma_start3A_258, %dma_start3A_259] : memref<256x128x128xf32, #tpu.memory_space<hbm>> -> memref<1x128x128xf32, #tpu.memory_space<hbm>>
    tpu.enqueue_dma source(%arg7 : memref<1x128x128xf32, #tpu.memory_space<vmem>>) target(%dma_start3A_260 : memref<1x128x128xf32, #tpu.memory_space<hbm>>) target_semaphore(%arg14 : memref<!tpu.dma_semaphore, #tpu.memory_space<semaphore_mem>>)
    %dma_wait3A_261 = arith.constant 0 : i32
    %dma_wait3A_262 = arith.constant 0 : i32
    %dma_wait3A_263 = tpu.memref_slice %arg4[%add3A_236, %dma_wait3A_261, %dma_wait3A_262] : memref<256x128x128xf32, #tpu.memory_space<hbm>> -> memref<1x128x128xf32, #tpu.memory_space<hbm>>
    %dma_wait3A_264 = arith.constant 0 : i32
    %dma_wait3A_265 = arith.constant 0 : i32
    %dma_wait3A_266 = tpu.memref_slice %arg4[%add3A_236, %dma_wait3A_264, %dma_wait3A_265] : memref<256x128x128xf32, #tpu.memory_space<hbm>> -> memref<1x128x128xf32, #tpu.memory_space<hbm>>
    tpu.wait_dma2 semaphore(%arg13 : memref<!tpu.dma_semaphore, #tpu.memory_space<semaphore_mem>>) src(%arg6 : memref<1x128x128xf32, #tpu.memory_space<vmem>>) dst(%dma_wait3A_266 : memref<1x128x128xf32, #tpu.memory_space<hbm>>)
    %dma_wait3A_267 = arith.constant 0 : i32
    %dma_wait3A_268 = arith.constant 0 : i32
    %dma_wait3A_269 = tpu.memref_slice %arg4[%add3A_254, %dma_wait3A_267, %dma_wait3A_268] : memref<256x128x128xf32, #tpu.memory_space<hbm>> -> memref<1x128x128xf32, #tpu.memory_space<hbm>>
    %dma_wait3A_270 = arith.constant 0 : i32
    %dma_wait3A_271 = arith.constant 0 : i32
    %dma_wait3A_272 = tpu.memref_slice %arg4[%add3A_254, %dma_wait3A_270, %dma_wait3A_271] : memref<256x128x128xf32, #tpu.memory_space<hbm>> -> memref<1x128x128xf32, #tpu.memory_space<hbm>>
    tpu.wait_dma2 semaphore(%arg14 : memref<!tpu.dma_semaphore, #tpu.memory_space<semaphore_mem>>) src(%arg7 : memref<1x128x128xf32, #tpu.memory_space<vmem>>) dst(%dma_wait3A_272 : memref<1x128x128xf32, #tpu.memory_space<hbm>>)
    %dma_wait3A_273 = arith.constant 0 : i32
    %dma_wait3A_274 = arith.constant 0 : i32
    %dma_wait3A_275 = tpu.memref_slice %arg4[%add3A_218, %dma_wait3A_273, %dma_wait3A_274] : memref<256x128x128xf32, #tpu.memory_space<hbm>> -> memref<1x128x128xf32, #tpu.memory_space<hbm>>
    %dma_wait3A_276 = arith.constant 0 : i32
    %dma_wait3A_277 = arith.constant 0 : i32
    %dma_wait3A_278 = tpu.memref_slice %arg4[%add3A_218, %dma_wait3A_276, %dma_wait3A_277] : memref<256x128x128xf32, #tpu.memory_space<hbm>> -> memref<1x128x128xf32, #tpu.memory_space<hbm>>
    tpu.wait_dma2 semaphore(%arg15 : memref<!tpu.dma_semaphore, #tpu.memory_space<semaphore_mem>>) src(%arg8 : memref<1x128x128xf32, #tpu.memory_space<vmem>>) dst(%dma_wait3A_278 : memref<1x128x128xf32, #tpu.memory_space<hbm>>)
    return
  }
}

</mosaic_0001>

<sc_bundles>
// kernel: _sc_gather.3.cloned.1.call-start
scs
__scs_entry_jumppad:
0x0: {  	(pc) =	sbr.rel $0x88, $3  }
0x1: {  	(tag) =	ssettag $0x0;
	lr =	simm.s32 $0x1  }
0x2: {  	[smem:$0x3F9F] =	sst lr;
	_ =	strace $0xD0000000  }
0x3: {  	_ = 	snop  }
0x4: {  	_ = 	snop  }
0x5: {  	_ = 	snop  }
0x6: {  	_ = 	snop  }
0x7: {  	_ = 	snop  }
__scs_overlays_trampoline_lowered:
0x8: {  	[smem:$0x3FAE] =	sst s0  }
0x9: {  	[smem:$0x3FAF] =	sst s1  }
0xa: {  	[smem:$0x3FB0] =	sst s2  }
0xb: {  	[smem:$0x3FB1] =	sst s3  }
0xc: {  	[smem:$0x3FB2] =	sst s4  }
0xd: {  	[smem:$0x3FB3] =	sst s5  }
0xe: {  	[smem:$0x3FB4] =	sst s6  }
0xf: {  	[smem:$0x3FB5] =	sst s7  }
0x10: {  	[smem:$0x3FB6] =	sst s8  }
0x11: {  	[smem:$0x3FB7] =	sst s9;
	s0 =	simm.s32 @!p0 $0x0  }
0x12: {  	s1 =	sld [smem:$0x3F9D];
	s0 =	simm.s32 @p0 $0x1  }
0x13: {  	[smem:$0x3FB8] =	sst s0;
	s0 =	simm.s32 @!p1 $0x0  }
0x14: {  	s2 =	sld [smem:$0x3F9C];
	s0 =	simm.s32 @p1 $0x1  }
0x15: {  	[smem:$0x3FB9] =	sst s0;
	s0 =	simm.s32 @!p2 $0x0  }
0x16: {  	s3 =	sld [smem:$0x3FDB];
	s0 =	simm.s32 @p2 $0x1  }
0x17: {  	s4 =	simm.s32 $0x1BF5;
	[smem:$0x3FBB] =	sst s0  }
0x18: {  	s0 =	sld [smem:$0x3F9E];
	_ =	swait.ge [sflag:s4], $0x0  }
0x19: {  	s7 =	sld [smem:$0x3F9F]  }
0x1a: {  	s8 =	sadd.s32 $0xFFFFE003, lr  }
0x1b: {  	s9 =	sadd.s32 $0xFFFFFEF7, lr;
	s5 =	simm.s32 $0xFFFFFFFF;
	p2 =	slt.u32 s8, $0xFFFFF086  }
0x1c: {  	p1 =	slt.u32 s9, $0xF7A;
	s5 =	simm.s32 @!p2 $0x0  }
0x1d: {  	s5 =	simm.s32 @p1 $0x1;
	p0 =	seq.s32 s7, s2  }
0x1e: {  	s7 =	smul.u32 @!p0 $0xF7A, s2;
	p2 =	seq.s32 @!p0 s5, $0x0  }
0x1f: {  	s9 =	smul.u32 $0xF7A, s1;
	s8 =	simm.s32 @!p0 $0x1BF5;
	p2 =	por !p2, p0  }
0x20: {  	[sflag:s8] =	ssyncset.s32 @!p0 $0xFFFFF086;
	s6 =	sadd.s32 @!p0 s3, s7;
	s7 =	simm.s32 @!p0 $0x108  }
0x21: {  	s3 =	sadd.s32 s3, s9;
	s6 =	sadd.s32 @!p0 $0x88, s6;
	s7 =	simm.s32 @p2 $0x1082  }
0x22: {  	[simem:s7], [sflag:s8] =	dma.local @!p0 [hbm:s6], $0xF7A  }
0x23: {  	s9 =	sor.u32 $0xD0000000, s2;
	s6 =	simm.s32 $0x108;
	_ =	swait.ge @!p0 [sflag:s8], $0x0  }
0x24: {  	s3 =	sadd.s32 $0x88, s3;
	s6 =	simm.s32 @!p1 $0x1082;
	[sflag:s4] =	ssyncset.s32 $0xFFFFF086  }
0x25: {  	[simem:s6], [sflag:s4] =	dma.local [hbm:s3], $0xF7A  }
0x26: {  	[smem:$0x3F9F] =	sst s1;
	(tag) =	ssettag s2;
	_ =	strace s9  }
0x27: {  	s1 =	sld [smem:$0x3FAF]  }
0x28: {  	s2 =	sld [smem:$0x3FB0]  }
0x29: {  	s4 =	sld [smem:$0x3FB2]  }
0x2a: {  	p0 =	seq.s32 s5, $0x0;
	s5 =	sld [smem:$0x3FB3]  }
0x2b: {  	s6 =	sld [smem:$0x3FB4]  }
0x2c: {  	s7 =	sld [smem:$0x3FB5]  }
0x2d: {  	s3 =	simm.s32 $0x108;
	s8 =	sld [smem:$0x3FB6]  }
0x2e: {  	s3 =	simm.s32 @!p0 $0x1082;
	s9 =	sld [smem:$0x3FB7]  }
0x2f: {  	lr =	sadd.s32 s0, s3;
	s0 =	sld [smem:$0x3FAE]  }
0x30: {  	s3 =	sld [smem:$0x3FB1]  }
0x31: {  	[smem:$0x3FBA] =	sst s10  }
0x32: {  	s10 =	sld [smem:$0x3FB8];
	_ =	sdelay $0x3  }
0x33: {  	p0 =	seq.s32 s10, $0x1;
	s10 =	sld [smem:$0x3FBA];
	_ =	sdelay $0x3  }
0x34: {  	[smem:$0x3FBA] =	sst s10  }
0x35: {  	s10 =	sld [smem:$0x3FB9];
	_ =	sdelay $0x3  }
0x36: {  	p1 =	seq.s32 s10, $0x1;
	s10 =	sld [smem:$0x3FBA];
	_ =	sdelay $0x3  }
0x37: {  	[smem:$0x3FBA] =	sst s10  }
0x38: {  	s10 =	sld [smem:$0x3FBB]  }
0x39: {  	_ = 	snop;
	(pc) =	sbr.ind lr, $3  }
0x3a: {  	_ = 	snop  }
0x3b: {  	_ = 	snop  }
0x3c: {  	p2 =	seq.s32 s10, $0x1;
	s10 =	sld [smem:$0x3FBA]  }
0x3d: {  	_ =	shalt  }
0x3e: {  	_ =	shalt  }
0x3f: {  	_ =	shalt  }
0x40: {  	_ =	shalt  }
0x41: {  	_ =	shalt  }
0x42: {  	_ =	shalt  }
0x43: {  	_ =	shalt  }
0x44: {  	_ =	shalt  }
0x45: {  	_ =	shalt  }
0x46: {  	_ =	shalt  }
0x47: {  	_ =	shalt  }
0x48: {  	_ =	shalt  }
0x49: {  	_ =	shalt  }
0x4a: {  	_ =	shalt  }
0x4b: {  	_ =	shalt  }
0x4c: {  	_ =	shalt  }
0x4d: {  	_ =	shalt  }
0x4e: {  	_ =	shalt  }
0x4f: {  	_ =	shalt  }
0x50: {  	_ =	shalt  }
0x51: {  	_ =	shalt  }
0x52: {  	_ =	shalt  }
0x53: {  	_ =	shalt  }
0x54: {  	_ =	shalt  }
0x55: {  	_ =	shalt  }
0x56: {  	_ =	shalt  }
0x57: {  	_ =	shalt  }
0x58: {  	_ =	shalt  }
0x59: {  	_ =	shalt  }
0x5a: {  	_ =	shalt  }
0x5b: {  	_ =	shalt  }
0x5c: {  	_ =	shalt  }
0x5d: {  	_ =	shalt  }
0x5e: {  	_ =	shalt  }
0x5f: {  	_ =	shalt  }
0x60: {  	_ =	shalt  }
0x61: {  	_ =	shalt  }
0x62: {  	_ =	shalt  }
0x63: {  	_ =	shalt  }
0x64: {  	_ =	shalt  }
0x65: {  	_ =	shalt  }
0x66: {  	_ =	shalt  }
0x67: {  	_ =	shalt  }
0x68: {  	_ =	shalt  }
0x69: {  	_ =	shalt  }
0x6a: {  	_ =	shalt  }
0x6b: {  	_ =	shalt  }
0x6c: {  	_ =	shalt  }
0x6d: {  	_ =	shalt  }
0x6e: {  	_ =	shalt  }
0x6f: {  	_ =	shalt  }
0x70: {  	_ =	shalt  }
0x71: {  	_ =	shalt  }
0x72: {  	_ =	shalt  }
0x73: {  	_ =	shalt  }
0x74: {  	_ =	shalt  }
0x75: {  	_ =	shalt  }
0x76: {  	_ =	shalt  }
0x77: {  	_ =	shalt  }
0x78: {  	_ =	shalt  }
0x79: {  	_ =	shalt  }
0x7a: {  	_ =	shalt  }
0x7b: {  	_ =	shalt  }
0x7c: {  	_ =	shalt  }
0x7d: {  	_ =	shalt  }
0x7e: {  	_ =	shalt  }
0x7f: {  	_ =	shalt  }
0x80: {  	_ =	shalt  }
0x81: {  	_ =	shalt  }
0x82: {  	_ =	shalt  }
0x83: {  	_ =	shalt  }
0x84: {  	_ =	shalt  }
0x85: {  	_ =	shalt  }
0x86: {  	_ =	shalt  }
0x87: {  	_ =	shalt  }
.Lfunc_end0:
.L_simem_size_0:
called_computation_lowered:
.L_overlay_start_0:
0x88: {  	s2 =	sld [smem:$0x3FD9]  }
0x89: {  	s3 =	sld [smem:$0x3FFE];
	_ =	sdelay $0x1  }
0x8a: {  	s1 =	srdreg.scid  }
0x8b: {  	s0 =	sand.u32 $0x1, s1  }
0x8c: {  	s18 =	sshll.u32 s0, $0xA;
	s2 =	sadd.s32 s3, s2  }
0x8d: {  	s2 =	sadd.s32 s2, s18  }
0x8e: {  	[smem:$0x3FC6] =	sst s2  }
0x8f: {  	_ = 	snop  }
0x90: {  	s2 =	sld [smem:$0x3FC9]  }
0x91: {  	s19 =	sld [smem:$0x3FC8]  }
0x92: {  	s4 =	sld [smem:$0x3FD0];
	(tm) =	ssettm $0x1  }
0x93: {  	s5 =	sld [smem:$0x3FFB];
	_ =	sdelay $0x3  }
0x94: {  	_ =	strace s5  }
0x95: {  	s5 =	sld [smem:$0x3FFC];
	_ =	sdelay $0x3  }
0x96: {  	_ =	strace s5  }
0x97: {  	s5 =	sld [smem:$0x3FFD];
	_ =	sdelay $0x3  }
0x98: {  	_ =	strace s5  }
0x99: {  	_ =	strace $0x8FFFFFFF  }
0x9a: {  	s20 =	sld [smem:$0x3FDB];
	_ =	sdelay $0x1  }
0x9b: {  	s6 =	simm.s32 $_scs_section_size  }
0x9c: {  	s7 =	simm.s32 $_size__tile_overlayer_lowered;
	s8 =	simm.s32 $_tile_overlayer_lowered  }
0x9d: {  	s23 =	simm.s32 $0x1BFF;
	s22 =	sshll.u32 s8, $0x1;
	s5 =	sadd.s32 s6, s20  }
0x9e: {  	s9 =	simm.s32 $0x0;
	s21 =	sshll.u32 s7, $0x1;
	s7 =	sadd.s32 s22, s5  }
0x9f: {  	[timem:s9], [sflag:s23] =	dma.local [hbm:s7], s21  }
0xa0: {  	_ =	swait.ge [sflag:s23], s21  }
0xa1: {  	s6 =	ssub.s32 $0x0, s21;
	[sflag:s23] =	ssyncset.done $0x0  }
0xa2: {  	[sflag:s23] =	ssyncadd.s32 s6;
	_ =	sdelay $0x1  }
0xa3: {  	s24 =	simm.s32 $0x1B8B  }
0xa4: {  	_ =	swait.ge [sflag:s24], $0x1  }
0xa5: {  	[sflag:s24] =	ssyncset.done $0x0  }
0xa6: {  	s25 =	simm.s32 $0x1B8E;
	[sflag:s24] =	ssyncadd.s32 $0xFFFFFFFF  }
0xa7: {  	s26 =	simm.s32 $execute0_lowered;
	[smem:$0x3FD2] =	sst s25  }
0xa8: {  	s6 =	sshll.u32 s26, $0x1;
	_ =	strace $0x80000046;
	[dreg:$0x1] =	wrdreg $0xFFFFFFFF  }
0xa9: {  	s28 =	simm.s32 $_size_execute0_lowered;
	s5 =	sadd.s32 s5, s6;
	[dreg:$0x0] =	wrdreg $0x0  }
0xaa: {  	s6 =	sshll.u32 s28, $0x1;
	[dreg:$0x2] =	wrdreg s5  }
0xab: {  	[dreg:$0x3] =	wrdreg s6  }
0xac: {  	[dreg:$0x4] =	wrdreg $0xC0  }
0xad: {  	_ =	task [dreg:s9], $0x5FFFF  }
0xae: {  	[dreg:$0x1] =	wrdreg $0xFFFFFFFF  }
0xaf: {  	[dreg:$0x0] =	wrdreg $0x60  }
0xb0: {  	[dreg:$0x2] =	wrdreg s2  }
0xb1: {  	[dreg:$0x3] =	wrdreg s19  }
0xb2: {  	[dreg:$0x4] =	wrdreg s4  }
0xb3: {  	[dreg:$0x5] =	wrdreg $0xC4000  }
0xb4: {  	[dreg:$0x6] =	wrdreg $0x9  }
0xb5: {  	_ =	task.clear_ibuf [dreg:s9], $0x7FFFF;
	_ =	strace $0x90000046  }
0xb6: {  	s29 =	simm.s32 $0x9;
	_ =	strace $0x80000048  }
0xb7: {  	_ =	swait.ge [sflag:s29], $0x1  }
0xb8: {  	[sflag:s29] =	ssyncadd.s32 $0xFFFFFFFF  }
0xb9: {  	_ =	strace $0x90000048  }
0xba: {  	_ =	sfence  }
0xbb: {  	s30 =	sld [smem:$0x0];
	_ =	sdelay $0x2  }
0xbc: {  	s31 =	sshll.u32 s1, $0xD;
	s1 =	sshrl.u32 s1, $0x2  }
0xbd: {  	s3 =	sand.u32 $0x4000, s31;
	s1 =	sadd.s32 s1, s30  }
0xbe: {  	s0 =	sor.u32 s3, s0;
	s1 =	sshll.u32 s1, $0x11  }
0xbf: {  	s0 =	sor.u32 s1, s0  }
0xc0: {  	s0 =	sadd.s32 $0x8F2B, s0  }
0xc1: {  	[sflag:s0] =	ssyncadd.remote.s32 $0x1  }
0xc2: {  	_ =	sfence.sel $0xFFFF  }
0xc3: {  	[dreg:$0x0] =	wrdreg $0xFFFFFFFF;
	(pc) =	sbr.abs _section_cstart, $3  }
0xc4: {  	[dreg:$0x1] =	wrdreg $0xFFFFFFFF  }
0xc5: {  	_ =	task.clear_ibuf [dreg:s9], $0x2FFFF;
	_ =	strace $0x9FFFFFFF  }
0xc6: {  	(tm) =	ssettm $0x7FFFFFFF  }
0xc7: {  	_ =	shalt  }
tec
execute0_lowered:
.L_overlay_start_1:
0x0: {  	(tag) =	ssettag $0x1  }
0x1: {  	s3 =	rddreg [dreg:$0x0]  }
0x2: {  	s0 =	rddreg [dreg:$0x1]  }
0x3: {  	s4 =	rddreg [dreg:$0x2]  }
0x4: {  	s26 =	srdreg.scid;
	s5 =	stileid.u32  }
0x5: {  	s1 =	rddreg [dreg:$0x3];
	s31 =	sand.u32 $0x1, s26;
	s6 =	sshll.u32 s5, $0x1  }
0x6: {  	s2 =	simm.s32 $0x0;
	[dreg:$0x5] =	wrdreg s0;
	s6 =	sor.u32 s31, s6  }
0x7: {  	[smem:$0x7FF] =	sst s2;
	s7 =	sshll.u32 s6, $0x7  }
0x8: {  	p0 =	sne.s32 s5, $0x0;
	s6 =	sshll.u32 s6, $0xE;
	s3 =	sadd.s32 s3, s7  }
0x9: {  	_ =	strace $0x80000047;
	[dreg:$0x6] =	wrdreg s3;
	s3 =	sadd.s32 s4, s6  }
0xa: {  	s5 =	simm.s32 @!p0 $0x1C07;
	s7 =	rddreg [dreg:$0x5];
	s4 =	sadd.s32 $0x800, s3  }
0xb: {  	s6 =	simm.s32 @!p0 $0x7;
	[dreg:$0x7] =	wrdreg s4;
	s4 =	sshrl.u32 @!p0 s1, $0x3  }
0xc: {  	[spmem:s4], [sflag:s5] =	dma.local @!p0 [hbm:s7], $0x1000  }
0xd: {  	_ =	swait.ge @!p0 [sflag:s6], $0x1000  }
0xe: {  	[sflag:s6] =	ssyncset.done @!p0 $0x0  }
0xf: {  	s7 =	simm.s32 $0x7;
	s8 =	rddreg [dreg:$0x6];
	[sflag:s6] =	ssyncadd.s32 @!p0 $0xFFFFF000  }
0x10: {  	[tilespmem:s2], [sflag:$0x7] =	stream.linear.gather [hbm4b:s8+s2], $0x400, $0x38;
	[tilespmem:$0xCC00] =	vst v63  }
0x11: {  	_ =	swait.ge [sflag:s7], $0x400  }
0x12: {  	[sflag:s7] =	ssyncset.done $0x0  }
0x13: {  	[sflag:s7] =	ssyncadd.s32 $0xFFFFFC00  }
0x14: {  	s9 =	simm.s32 $0x400;
	s8 =	simm.s32 $0x80;
	[bflag:$0x0] =	sbarrier.arrive $0xFFFF  }
0x15: {  	[tilespmem:s9], [sflag:$0x1] =	stream.indirect.gather [spmem:s1], $0x80, s2, s8, $0xb8;
	[tilespmem:$0xCC00] =	vst v63  }
0x16: {  	s10 =	simm.s32 $0x4400  }
0x17: {  	[tilespmem:s10], [sflag:$0x2] =	stream.indirect.gather [spmem:s1], $0x80, s8, s8, $0xb8;
	[tilespmem:$0xCC00] =	vst v63  }
0x18: {  	s11 =	simm.s32 $0x100;
	s12 =	simm.s32 $0x8400;
	s13 =	simm.s32 $0x1  }
0x19: {  	[tilespmem:s12], [sflag:$0x3] =	stream.indirect.gather [spmem:s1], $0x80, s11, s8, $0xb8;
	[tilespmem:$0xCC00] =	vst v63  }
0x1a: {  	_ =	swait.ge [sflag:s13], $0x4000  }
0x1b: {  	[sflag:s13] =	ssyncset.done $0x0  }
0x1c: {  	s14 =	simm.s32 $0x4;
	[sflag:s13] =	ssyncadd.s32 $0xFFFFC000  }
0x1d: {  	[hbm4b:s3+s2] =	stream.linear.scatter [tilespmem:s9], [sflag:$0x4], $0x4000, $0x38;
	[tilespmem:$0xCC00] =	vst v63  }
0x1e: {  	_ =	swait.ge [sflag:s14], $0x4000  }
0x1f: {  	[sflag:s14] =	ssyncset.done $0x0  }
0x20: {  	s15 =	simm.s32 $0x180;
	s16 =	simm.s32 $0x2;
	[sflag:s14] =	ssyncadd.s32 $0xFFFFC000  }
0x21: {  	[tilespmem:s9], [sflag:$0x1] =	stream.indirect.gather [spmem:s1], $0x80, s15, s8, $0xb8;
	[tilespmem:$0xCC00] =	vst v63  }
0x22: {  	_ =	swait.ge [sflag:s16], $0x4000  }
0x23: {  	[sflag:s16] =	ssyncset.done $0x0  }
0x24: {  	s17 =	simm.s32 $0x5;
	s18 =	rddreg [dreg:$0x7];
	[sflag:s16] =	ssyncadd.s32 $0xFFFFC000  }
0x25: {  	[hbm4b:s18+s2] =	stream.linear.scatter [tilespmem:s10], [sflag:$0x5], $0x4000, $0x38;
	[tilespmem:$0xCC00] =	vst v63  }
0x26: {  	_ =	swait.ge [sflag:s17], $0x4000  }
0x27: {  	[sflag:s17] =	ssyncset.done $0x0  }
0x28: {  	s19 =	simm.s32 $0x3;
	s18 =	simm.s32 $0x200;
	[sflag:s17] =	ssyncadd.s32 $0xFFFFC000  }
0x29: {  	[tilespmem:s10], [sflag:$0x2] =	stream.indirect.gather [spmem:s1], $0x80, s18, s8, $0xb8;
	[tilespmem:$0xCC00] =	vst v63  }
0x2a: {  	_ =	swait.ge [sflag:s19], $0x4000  }
0x2b: {  	[sflag:s19] =	ssyncset.done $0x0  }
0x2c: {  	s20 =	simm.s32 $0x6;
	s21 =	sadd.s32 $0x1000, s3;
	[sflag:s19] =	ssyncadd.s32 $0xFFFFC000  }
0x2d: {  	[hbm4b:s21+s2] =	stream.linear.scatter [tilespmem:s12], [sflag:$0x6], $0x4000, $0x38;
	[tilespmem:$0xCC00] =	vst v63  }
0x2e: {  	_ =	swait.ge [sflag:s20], $0x4000  }
0x2f: {  	[sflag:s20] =	ssyncset.done $0x0  }
0x30: {  	s22 =	simm.s32 $0x280;
	[sflag:s20] =	ssyncadd.s32 $0xFFFFC000  }
0x31: {  	[tilespmem:s12], [sflag:$0x3] =	stream.indirect.gather [spmem:s1], $0x80, s22, s8, $0xb8;
	[tilespmem:$0xCC00] =	vst v63  }
0x32: {  	_ =	swait.ge [sflag:s13], $0x4000  }
0x33: {  	[sflag:s13] =	ssyncset.done $0x0  }
0x34: {  	s23 =	sadd.s32 $0x1800, s3;
	[sflag:s13] =	ssyncadd.s32 $0xFFFFC000  }
0x35: {  	[hbm4b:s23+s2] =	stream.linear.scatter [tilespmem:s9], [sflag:$0x4], $0x4000, $0x38;
	[tilespmem:$0xCC00] =	vst v63  }
0x36: {  	_ =	swait.ge [sflag:s14], $0x4000  }
0x37: {  	[sflag:s14] =	ssyncset.done $0x0  }
0x38: {  	s24 =	simm.s32 $0x300;
	[sflag:s14] =	ssyncadd.s32 $0xFFFFC000  }
0x39: {  	[tilespmem:s9], [sflag:$0x1] =	stream.indirect.gather [spmem:s1], $0x80, s24, s8, $0xb8;
	[tilespmem:$0xCC00] =	vst v63  }
0x3a: {  	_ =	swait.ge [sflag:s16], $0x4000  }
0x3b: {  	[sflag:s16] =	ssyncset.done $0x0  }
0x3c: {  	s25 =	sadd.s32 $0x2000, s3;
	[sflag:s16] =	ssyncadd.s32 $0xFFFFC000  }
0x3d: {  	[hbm4b:s25+s2] =	stream.linear.scatter [tilespmem:s10], [sflag:$0x5], $0x4000, $0x38;
	[tilespmem:$0xCC00] =	vst v63  }
0x3e: {  	_ =	swait.ge [sflag:s17], $0x4000  }
0x3f: {  	[sflag:s17] =	ssyncset.done $0x0  }
0x40: {  	s26 =	simm.s32 $0x380;
	[sflag:s17] =	ssyncadd.s32 $0xFFFFC000  }
0x41: {  	[tilespmem:s10], [sflag:$0x2] =	stream.indirect.gather [spmem:s1], $0x80, s26, s8, $0xb8;
	[tilespmem:$0xCC00] =	vst v63  }
0x42: {  	_ =	swait.ge [sflag:s19], $0x4000  }
0x43: {  	[sflag:s19] =	ssyncset.done $0x0  }
0x44: {  	s28 =	sadd.s32 $0x2800, s3;
	[sflag:s19] =	ssyncadd.s32 $0xFFFFC000  }
0x45: {  	[hbm4b:s28+s2] =	stream.linear.scatter [tilespmem:s12], [sflag:$0x6], $0x4000, $0x38;
	[tilespmem:$0xCC00] =	vst v63  }
0x46: {  	_ =	swait.ge [sflag:s13], $0x4000  }
0x47: {  	[sflag:s13] =	ssyncset.done $0x0  }
0x48: {  	s31 =	ssub.s32 $0x2, s31;
	s29 =	sadd.s32 $0x3000, s3;
	[sflag:s13] =	ssyncadd.s32 $0xFFFFC000  }
0x49: {  	[hbm4b:s29+s2] =	stream.linear.scatter [tilespmem:s9], [sflag:$0x4], $0x4000, $0x38;
	[tilespmem:$0xCC00] =	vst v63  }
0x4a: {  	s0 =	sshrl.u32 s31, $0x1;
	_ =	swait.ge [sflag:s16], $0x4000  }
0x4b: {  	s0 =	ssub.s32 s31, s0;
	[sflag:s16] =	ssyncset.done $0x0  }
0x4c: {  	s0 =	smax.u32 s0, $0x1;
	s30 =	sadd.s32 $0x3800, s3;
	[sflag:s16] =	ssyncadd.s32 $0xFFFFC000  }
0x4d: {  	[hbm4b:s30+s2] =	stream.linear.scatter [tilespmem:s10], [sflag:$0x5], $0x4000, $0x38;
	[tilespmem:$0xCC00] =	vst v63  }
0x4e: {  	s31 =	sadd.s32 $0xFFFFFFFF, s0;
	_ =	swait.ge [sflag:s14], $0x4000  }
0x4f: {  	p1 =	sne.s32 s31, $0x0;
	[sflag:s14] =	ssyncset.done $0x0  }
.Ltmp0:
0x50: {  	[sflag:s14] =	ssyncadd.s32 $0xFFFFC000;
	(pc) =	sbr.rel @!p1 .LBB2_2-.Ltmp0, $4  }
0x51: {  	_ =	swait.ge [sflag:s17], $0x4000  }
0x52: {  	[sflag:s17] =	ssyncset.done $0x0  }
0x53: {  	[sflag:s17] =	ssyncadd.s32 $0xFFFFC000  }
0x54: {  	_ =	swait.ge [sflag:s20], $0x4000  }
.LBB2_1:
0x55: {  	[sflag:s20] =	ssyncset.done $0x0  }
0x56: {  	s0 =	rddreg [dreg:$0x5];
	[sflag:s20] =	ssyncadd.s32 $0xFFFFC000  }
0x57: {  	[spmem:s4], [sflag:s5] =	dma.local @!p0 [hbm:s0], $0x1000  }
0x58: {  	_ =	swait.ge @!p0 [sflag:s6], $0x1000  }
0x59: {  	[sflag:s6] =	ssyncset.done @!p0 $0x0  }
0x5a: {  	s0 =	rddreg [dreg:$0x6];
	[sflag:s6] =	ssyncadd.s32 @!p0 $0xFFFFF000  }
0x5b: {  	[tilespmem:s2], [sflag:$0x7] =	stream.linear.gather [hbm4b:s0+s2], $0x400, $0x38;
	[tilespmem:$0xCC00] =	vst v63  }
0x5c: {  	_ =	swait.ge [sflag:s7], $0x400  }
0x5d: {  	[sflag:s7] =	ssyncset.done $0x0  }
0x5e: {  	[sflag:s7] =	ssyncadd.s32 $0xFFFFFC00  }
0x5f: {  	[bflag:$0x0] =	sbarrier.arrive $0xFFFF  }
0x60: {  	[tilespmem:s9], [sflag:$0x1] =	stream.indirect.gather [spmem:s1], $0x80, s2, s8, $0xb8;
	[tilespmem:$0xCC00] =	vst v63  }
0x61: {  	_ = 	snop  }
0x62: {  	[tilespmem:s10], [sflag:$0x2] =	stream.indirect.gather [spmem:s1], $0x80, s8, s8, $0xb8;
	[tilespmem:$0xCC00] =	vst v63  }
0x63: {  	_ = 	snop  }
0x64: {  	[tilespmem:s12], [sflag:$0x3] =	stream.indirect.gather [spmem:s1], $0x80, s11, s8, $0xb8;
	[tilespmem:$0xCC00] =	vst v63  }
0x65: {  	_ =	swait.ge [sflag:s13], $0x4000  }
0x66: {  	[sflag:s13] =	ssyncset.done $0x0  }
0x67: {  	[sflag:s13] =	ssyncadd.s32 $0xFFFFC000  }
0x68: {  	[hbm4b:s3+s2] =	stream.linear.scatter [tilespmem:s9], [sflag:$0x4], $0x4000, $0x38;
	[tilespmem:$0xCC00] =	vst v63  }
0x69: {  	_ =	swait.ge [sflag:s14], $0x4000  }
0x6a: {  	[sflag:s14] =	ssyncset.done $0x0  }
0x6b: {  	[sflag:s14] =	ssyncadd.s32 $0xFFFFC000  }
0x6c: {  	[tilespmem:s9], [sflag:$0x1] =	stream.indirect.gather [spmem:s1], $0x80, s15, s8, $0xb8;
	[tilespmem:$0xCC00] =	vst v63  }
0x6d: {  	_ =	swait.ge [sflag:s16], $0x4000  }
0x6e: {  	[sflag:s16] =	ssyncset.done $0x0  }
0x6f: {  	s0 =	rddreg [dreg:$0x7];
	[sflag:s16] =	ssyncadd.s32 $0xFFFFC000  }
0x70: {  	[hbm4b:s0+s2] =	stream.linear.scatter [tilespmem:s10], [sflag:$0x5], $0x4000, $0x38;
	[tilespmem:$0xCC00] =	vst v63  }
0x71: {  	_ =	swait.ge [sflag:s17], $0x4000  }
0x72: {  	[sflag:s17] =	ssyncset.done $0x0  }
0x73: {  	[sflag:s17] =	ssyncadd.s32 $0xFFFFC000  }
0x74: {  	[tilespmem:s10], [sflag:$0x2] =	stream.indirect.gather [spmem:s1], $0x80, s18, s8, $0xb8;
	[tilespmem:$0xCC00] =	vst v63  }
0x75: {  	_ =	swait.ge [sflag:s19], $0x4000  }
0x76: {  	[sflag:s19] =	ssyncset.done $0x0  }
0x77: {  	[sflag:s19] =	ssyncadd.s32 $0xFFFFC000  }
0x78: {  	[hbm4b:s21+s2] =	stream.linear.scatter [tilespmem:s12], [sflag:$0x6], $0x4000, $0x38;
	[tilespmem:$0xCC00] =	vst v63  }
0x79: {  	_ =	swait.ge [sflag:s20], $0x4000  }
0x7a: {  	[sflag:s20] =	ssyncset.done $0x0  }
0x7b: {  	[sflag:s20] =	ssyncadd.s32 $0xFFFFC000  }
0x7c: {  	[tilespmem:s12], [sflag:$0x3] =	stream.indirect.gather [spmem:s1], $0x80, s22, s8, $0xb8;
	[tilespmem:$0xCC00] =	vst v63  }
0x7d: {  	_ =	swait.ge [sflag:s13], $0x4000  }
0x7e: {  	[sflag:s13] =	ssyncset.done $0x0  }
0x7f: {  	[sflag:s13] =	ssyncadd.s32 $0xFFFFC000  }
0x80: {  	[hbm4b:s23+s2] =	stream.linear.scatter [tilespmem:s9], [sflag:$0x4], $0x4000, $0x38;
	[tilespmem:$0xCC00] =	vst v63  }
0x81: {  	_ =	swait.ge [sflag:s14], $0x4000  }
0x82: {  	[sflag:s14] =	ssyncset.done $0x0  }
0x83: {  	[sflag:s14] =	ssyncadd.s32 $0xFFFFC000  }
0x84: {  	[tilespmem:s9], [sflag:$0x1] =	stream.indirect.gather [spmem:s1], $0x80, s24, s8, $0xb8;
	[tilespmem:$0xCC00] =	vst v63  }
0x85: {  	_ =	swait.ge [sflag:s16], $0x4000  }
0x86: {  	[sflag:s16] =	ssyncset.done $0x0  }
0x87: {  	[sflag:s16] =	ssyncadd.s32 $0xFFFFC000  }
0x88: {  	[hbm4b:s25+s2] =	stream.linear.scatter [tilespmem:s10], [sflag:$0x5], $0x4000, $0x38;
	[tilespmem:$0xCC00] =	vst v63  }
0x89: {  	_ =	swait.ge [sflag:s17], $0x4000  }
0x8a: {  	[sflag:s17] =	ssyncset.done $0x0  }
0x8b: {  	[sflag:s17] =	ssyncadd.s32 $0xFFFFC000  }
0x8c: {  	[tilespmem:s10], [sflag:$0x2] =	stream.indirect.gather [spmem:s1], $0x80, s26, s8, $0xb8;
	[tilespmem:$0xCC00] =	vst v63  }
0x8d: {  	_ =	swait.ge [sflag:s19], $0x4000  }
0x8e: {  	[sflag:s19] =	ssyncset.done $0x0  }
0x8f: {  	[sflag:s19] =	ssyncadd.s32 $0xFFFFC000  }
0x90: {  	[hbm4b:s28+s2] =	stream.linear.scatter [tilespmem:s12], [sflag:$0x6], $0x4000, $0x38;
	[tilespmem:$0xCC00] =	vst v63  }
0x91: {  	_ =	swait.ge [sflag:s13], $0x4000  }
0x92: {  	[sflag:s13] =	ssyncset.done $0x0  }
0x93: {  	[sflag:s13] =	ssyncadd.s32 $0xFFFFC000  }
0x94: {  	[hbm4b:s29+s2] =	stream.linear.scatter [tilespmem:s9], [sflag:$0x4], $0x4000, $0x38;
	[tilespmem:$0xCC00] =	vst v63  }
0x95: {  	_ =	swait.ge [sflag:s16], $0x4000  }
0x96: {  	[sflag:s16] =	ssyncset.done $0x0  }
0x97: {  	[sflag:s16] =	ssyncadd.s32 $0xFFFFC000  }
0x98: {  	[hbm4b:s30+s2] =	stream.linear.scatter [tilespmem:s10], [sflag:$0x5], $0x4000, $0x38;
	[tilespmem:$0xCC00] =	vst v63  }
0x99: {  	s31 =	sadd.s32 $0xFFFFFFFF, s31;
	_ =	swait.ge [sflag:s14], $0x4000  }
0x9a: {  	p1 =	sne.s32 s31, $0x0;
	[sflag:s14] =	ssyncset.done $0x0  }
.Ltmp1:
0x9b: {  	[sflag:s14] =	ssyncadd.s32 $0xFFFFC000;
	(pc) =	sbr.rel @p1 .LBB2_1-.Ltmp1, $4  }
0x9c: {  	_ =	swait.ge [sflag:s17], $0x4000  }
0x9d: {  	[sflag:s17] =	ssyncset.done $0x0  }
0x9e: {  	[sflag:s17] =	ssyncadd.s32 $0xFFFFC000  }
0x9f: {  	_ =	swait.ge [sflag:s20], $0x4000  }
.LBB2_2:
0xa0: {  	[sflag:s20] =	ssyncset.done $0x0  }
0xa1: {  	[sflag:s20] =	ssyncadd.s32 $0xFFFFC000  }
0xa2: {  	_ =	sfence.sel $0x180000  }
0xa3: {  	[bflag:$0x0] =	sbarrier.arrive $0xFFFF  }
0xa4: {  	_ =	strace $0x90000047  }
0xa5: {  	[bflag:$0x2] =	sbarrier.arrive $0xFFFF  }
0xa6: {  	s0 =	rddreg [dreg:$0x4]  }
0xa7: {  	s0 =	sadd.s32 @!p0 $0x100000, s0  }
0xa8: {  	[sflag:s0] =	ssyncadd.tile.s32 @!p0 $0x1;
	_ =	shalt  }
.Lfunc_end2:
_tile_overlayer_lowered:
.L_overlay_start_2:
0xa9: {  	(tag) =	ssettag $0x2  }
0xaa: {  	s0 =	rddreg [dreg:$0x0];
	s2 =	stileid.u32  }
0xab: {  	s1 =	rddreg [dreg:$0x1];
	p0 =	sne.s32 s2, $0x0  }
0xac: {  	s3 =	rddreg [dreg:$0x2];
	[bflag:$0x3] =	sbarrier.arrive $0xFFFF;
	s2 =	simm.s32 @!p0 $0x1C07  }
0xad: {  	[timem:s3], [sflag:s2] =	dma.local @!p0 [hbm:s0], s1  }
0xae: {  	s0 =	simm.s32 @!p0 $0x7  }
0xaf: {  	_ =	swait.ge @!p0 [sflag:s0], s1  }
0xb0: {  	s1 =	ssub.s32 @!p0 $0x0, s1;
	[sflag:s0] =	ssyncset.done @!p0 $0x0  }
0xb1: {  	[sflag:s0] =	ssyncadd.s32 @!p0 s1  }
0xb2: {  	[bflag:$0x3] =	sbarrier.arrive $0xFFFF  }
0xb3: {  	_ =	shalt  }

</sc_bundles>
